<compile_context>
chip_gen: v7x
topology: tpu7x:2x2x1
jax: 0.10.2.dev20260603
libtpu: 0.0.44.dev20260713+nightly
codegen_flags: <defaults>
</compile_context>

<pallas_src>
import functools

import jax
import jax.numpy as jnp
from jax import lax
from jax.experimental import pallas as pl
from jax.experimental.pallas import tpu as pltpu
from jax.experimental.pallas import tpu_sc as plsc

_D = 64
_S = 2048
_B = 32
_NC = 2
_NS = 16
_NW = _NC * _NS
_PCHUNKS = 8
_PCH = _S // _PCHUNKS
_BGROUPS = _NW // _PCHUNKS
_BPG = _B // _BGROUPS
_NIDX = _PCH // 128


def _sc_embed(idx, token_table, pos_table):
    mesh = plsc.VectorSubcoreMesh(core_axis_name="c", subcore_axis_name="s")

    @functools.partial(
        pl.kernel,
        mesh=mesh,
        compiler_params=pltpu.CompilerParams(use_tc_tiling_on_sc=False),
        out_type=jax.ShapeDtypeStruct((_B, _S, _D), jnp.float32),
        scratch_types=[
            pltpu.VMEM((_NIDX, 128), jnp.int32),
            pltpu.VMEM((_PCH, _D), jnp.float32),
            pltpu.VMEM((_PCH, _D), jnp.float32),
            pltpu.SemaphoreType.DMA,
        ],
    )
    def k(idx_hbm, tok_hbm, pos_hbm, out_hbm, idx_v, rows_v, pos_v, sem):
        wid = lax.axis_index("s") * _NC + lax.axis_index("c")
        p = wid % _PCHUNKS
        g = wid // _PCHUNKS
        pltpu.sync_copy(pos_hbm.at[pl.ds(p * _PCH, _PCH), :], pos_v)

        def step(bl, carry):
            b = g * _BPG + bl
            pltpu.sync_copy(idx_hbm.at[b, pl.ds(p * _NIDX, _NIDX), :], idx_v)
            cps = [
                pltpu.async_copy(
                    tok_hbm.at[idx_v.at[j]],
                    rows_v.at[pl.ds(j * 128, 128)],
                    sem,
                )
                for j in range(_NIDX)
            ]
            for cp in cps:
                cp.wait()

            def add_row(r, c2):
                for j in range(_D // 16):
                    sl = pl.ds(j * 16, 16)
                    rows_v[r, sl] = rows_v[r, sl] + pos_v[r, sl]
                return c2

            lax.fori_loop(0, _PCH, add_row, 0)
            pltpu.sync_copy(rows_v, out_hbm.at[b, pl.ds(p * _PCH, _PCH), :])
            return carry

        lax.fori_loop(0, _BPG, step, 0)

    return k(idx, token_table, pos_table)


def kernel(inputs, token_table, pos_table):
    idx = inputs.astype(jnp.int32).reshape(_B, _S // 128, 128)
    return _sc_embed(idx, token_table, pos_table)

# --- scband reference (transcript-rebuilt; emitter-appended) ---
"""Pipeline reference for scband-embedding-layer-11793980194849 (READ-ONLY COPY).

The authoritative reference and input builder live on the scoring server;
editing this copy changes nothing except your own understanding.
"""

import jax, jax.numpy as jnp
import numpy as np

VOCAB = 100000
EMBED_DIM = 64
CONTEXT_LEN = 2048
BATCH = 32

def setup_inputs(seed: int = 0) -> dict:
    key = jax.random.key(seed)
    k1, k2, k3 = jax.random.split(key, 3)
    inputs = jax.random.randint(k1, (BATCH, CONTEXT_LEN), 0, VOCAB, dtype=jnp.int64 if jax.config.jax_enable_x64 else jnp.int32)
    token_table = jax.random.normal(k2, (VOCAB, EMBED_DIM), dtype=jnp.float32) * 0.02
    pos_table = jax.random.normal(k3, (CONTEXT_LEN, EMBED_DIM), dtype=jnp.float32) * 0.02
    return {"inputs": inputs, "token_table": token_table, "pos_table": pos_table}

def reference(inputs, token_table, pos_table):
    # token embedding: gather rows of token_table by inputs -> [B, S, D]
    token_embedding = jnp.take(token_table, inputs, axis=0)
    # position embedding: gather rows 0..S-1 -> [S, D], broadcast over batch
    position_embedding = jnp.take(pos_table, jnp.arange(inputs.shape[1]), axis=0)
    return token_embedding + position_embedding[None, :, :]

if __name__ == "__main__":
    import jax
    _d = setup_inputs()
    print(jax.jit(kernel)(*tuple(_d.values())))

</pallas_src>

<mosaic_0001>
#map = affine_map<(d0, d1) -> (0, 0, 0)>
#map1 = affine_map<(d0, d1) -> (0, 0)>
module attributes {stable_mosaic.version = 14 : i64} {
  func.func @k(%arg0: i32, %arg1: i32, %arg2: memref<32x16x128xi32, #tpu.memory_space<hbm>>, %arg3: memref<100000x64xf32, #tpu.memory_space<hbm>>, %arg4: memref<2048x64xf32, #tpu.memory_space<hbm>>, %arg5: memref<32x2048x64xf32, #tpu.memory_space<hbm>>, %arg6: memref<2x128xi32, #tpu.memory_space<vmem>>, %arg7: memref<256x64xf32, #tpu.memory_space<vmem>>, %arg8: memref<256x64xf32, #tpu.memory_space<vmem>>, %arg9: memref<!tpu.dma_semaphore, #tpu.memory_space<semaphore_mem>>) attributes {dimension_semantics = [#tpu.dimension_semantics<core_parallel>, #tpu.dimension_semantics<subcore_parallel>], iteration_bounds = array<i64: 2, 16>, scalar_prefetch = 0 : i64, scratch_operands = 4 : i64, tpu.core_type = #tpu.core_type<sc_vector_subcore>, window_params = [{transform_indices = #map}, {transform_indices = #map1}, {transform_indices = #map1}, {transform_indices = #map}]} {
    %mul3A = arith.constant 2 : i32
    %mul3A_0 = arith.muli %arg1, %mul3A : i32
    %add3A = arith.addi %mul3A_0, %arg0 : i32
    %jit3A = arith.constant 8 : i32
    %eq3A = arith.constant 0 : i32
    %eq3A_1 = arith.cmpi eq, %jit3A, %eq3A : i32
    %jit3A_2 = arith.constant 1 : i32
    %select_n3A = arith.select %eq3A_1, %jit3A_2, %jit3A : i32
    %rem3A = arith.remsi %add3A, %select_n3A : i32
    %ne3A = arith.constant 0 : i32
    %ne3A_3 = arith.cmpi ne, %rem3A, %ne3A : i32
    %lt3A = arith.constant 0 : i32
    %lt3A_4 = arith.cmpi slt, %rem3A, %lt3A : i32
    %lt3A_5 = arith.constant 0 : i32
    %lt3A_6 = arith.cmpi slt, %select_n3A, %lt3A_5 : i32
    %ne3A_7 = arith.xori %lt3A_4, %lt3A_6 : i1
    %and3A = arith.andi %ne3A_7, %ne3A_3 : i1
    %add3A_8 = arith.addi %rem3A, %select_n3A : i32
    %select_n3A_9 = arith.select %and3A, %add3A_8, %rem3A : i32
    %jit3A_10 = arith.constant 8 : i32
    %div3A = arith.divsi %add3A, %jit3A_10 : i32
    %sign3A = arith.constant 0 : i32
    %sign3A_11 = arith.cmpi sgt, %add3A, %sign3A : i32
    %sign3A_12 = arith.extui %sign3A_11 : i1 to i32
    %sign3A_13 = arith.constant 0 : i32
    %sign3A_14 = arith.cmpi slt, %add3A, %sign3A_13 : i32
    %sign3A_15 = arith.extui %sign3A_14 : i1 to i32
    %sign3A_16 = arith.subi %sign3A_12, %sign3A_15 : i32
    %sign3A_17 = arith.constant 0 : i32
    %sign3A_18 = arith.cmpi sgt, %jit3A_10, %sign3A_17 : i32
    %sign3A_19 = arith.extui %sign3A_18 : i1 to i32
    %sign3A_20 = arith.constant 0 : i32
    %sign3A_21 = arith.cmpi slt, %jit3A_10, %sign3A_20 : i32
    %sign3A_22 = arith.extui %sign3A_21 : i1 to i32
    %sign3A_23 = arith.subi %sign3A_19, %sign3A_22 : i32
    %ne3A_24 = arith.cmpi ne, %sign3A_16, %sign3A_23 : i32
    %rem3A_25 = arith.remsi %add3A, %jit3A_10 : i32
    %ne3A_26 = arith.constant 0 : i32
    %ne3A_27 = arith.cmpi ne, %rem3A_25, %ne3A_26 : i32
    %and3A_28 = arith.andi %ne3A_24, %ne3A_27 : i1
    %sub3A = arith.constant 1 : i32
    %sub3A_29 = arith.subi %div3A, %sub3A : i32
    %select_n3A_30 = arith.select %and3A_28, %sub3A_29, %div3A : i32
    %mul3A_31 = arith.constant 256 : i32
    %mul3A_32 = arith.muli %select_n3A_9, %mul3A_31 : i32
    "tpu.region"() ({
      %run_scoped3A = tpu.sem_alloc : memref<!tpu.dma_semaphore, #tpu.memory_space<semaphore_mem>>
      %dma_start3A = arith.constant 0 : i32
      %dma_start3A_38 = tpu.memref_slice %arg4[%mul3A_32, %dma_start3A] : memref<2048x64xf32, #tpu.memory_space<hbm>> -> memref<256x64xf32, #tpu.memory_space<hbm>>
      %dma_start3A_39 = arith.constant 0 : i32
      %dma_start3A_40 = tpu.memref_slice %arg4[%mul3A_32, %dma_start3A_39] : memref<2048x64xf32, #tpu.memory_space<hbm>> -> memref<256x64xf32, #tpu.memory_space<hbm>>
      tpu.enqueue_dma source(%dma_start3A_40 : memref<256x64xf32, #tpu.memory_space<hbm>>) target(%arg8 : memref<256x64xf32, #tpu.memory_space<vmem>>) target_semaphore(%run_scoped3A : memref<!tpu.dma_semaphore, #tpu.memory_space<semaphore_mem>>)
      %dma_wait3A = arith.constant 0 : i32
      %dma_wait3A_41 = tpu.memref_slice %arg4[%mul3A_32, %dma_wait3A] : memref<2048x64xf32, #tpu.memory_space<hbm>> -> memref<256x64xf32, #tpu.memory_space<hbm>>
      %dma_wait3A_42 = arith.constant 0 : i32
      %dma_wait3A_43 = tpu.memref_slice %arg4[%mul3A_32, %dma_wait3A_42] : memref<2048x64xf32, #tpu.memory_space<hbm>> -> memref<256x64xf32, #tpu.memory_space<hbm>>
      tpu.wait_dma2 semaphore(%run_scoped3A : memref<!tpu.dma_semaphore, #tpu.memory_space<semaphore_mem>>) src(%dma_wait3A_43 : memref<256x64xf32, #tpu.memory_space<hbm>>) dst(%arg8 : memref<256x64xf32, #tpu.memory_space<vmem>>)
      tpu.yield
    }) : () -> ()
    %scan3A = arith.constant 0 : i32
    %scan3A_33 = arith.constant 0 : i32
    %scan3A_34 = arith.constant 8 : i32
    %scan3A_35 = arith.addi %scan3A_33, %scan3A_34 : i32
    %scan3A_36 = arith.constant 1 : i32
    scf.for %scan3A_38 = %scan3A_33 to %scan3A_35 step %scan3A_36  : i32 {
      %mul3A_39 = arith.constant 8 : i32
      %mul3A_40 = arith.muli %select_n3A_30, %mul3A_39 : i32
      %add3A_41 = arith.addi %mul3A_40, %scan3A_38 : i32
      %mul3A_42 = arith.constant 2 : i32
      %mul3A_43 = arith.muli %select_n3A_9, %mul3A_42 : i32
      "tpu.region"() ({
        %run_scoped3A = tpu.sem_alloc : memref<!tpu.dma_semaphore, #tpu.memory_space<semaphore_mem>>
        %dma_start3A_90 = arith.constant 0 : i32
        %dma_start3A_91 = tpu.memref_slice %arg2[%add3A_41, %mul3A_43, %dma_start3A_90] : memref<32x16x128xi32, #tpu.memory_space<hbm>> -> memref<1x2x128xi32, #tpu.memory_space<hbm>>
        %dma_start3A_92 = tpu.memref_squeeze %dma_start3A_91 : memref<1x2x128xi32, #tpu.memory_space<hbm>> -> memref<2x128xi32, #tpu.memory_space<hbm>>
        %dma_start3A_93 = arith.constant 0 : i32
        %dma_start3A_94 = tpu.memref_slice %arg2[%add3A_41, %mul3A_43, %dma_start3A_93] : memref<32x16x128xi32, #tpu.memory_space<hbm>> -> memref<1x2x128xi32, #tpu.memory_space<hbm>>
        %dma_start3A_95 = tpu.memref_squeeze %dma_start3A_94 : memref<1x2x128xi32, #tpu.memory_space<hbm>> -> memref<2x128xi32, #tpu.memory_space<hbm>>
        tpu.enqueue_dma source(%dma_start3A_95 : memref<2x128xi32, #tpu.memory_space<hbm>>) target(%arg6 : memref<2x128xi32, #tpu.memory_space<vmem>>) target_semaphore(%run_scoped3A : memref<!tpu.dma_semaphore, #tpu.memory_space<semaphore_mem>>)
        %dma_wait3A_96 = arith.constant 0 : i32
        %dma_wait3A_97 = tpu.memref_slice %arg2[%add3A_41, %mul3A_43, %dma_wait3A_96] : memref<32x16x128xi32, #tpu.memory_space<hbm>> -> memref<1x2x128xi32, #tpu.memory_space<hbm>>
        %dma_wait3A_98 = tpu.memref_squeeze %dma_wait3A_97 : memref<1x2x128xi32, #tpu.memory_space<hbm>> -> memref<2x128xi32, #tpu.memory_space<hbm>>
        %dma_wait3A_99 = arith.constant 0 : i32
        %dma_wait3A_100 = tpu.memref_slice %arg2[%add3A_41, %mul3A_43, %dma_wait3A_99] : memref<32x16x128xi32, #tpu.memory_space<hbm>> -> memref<1x2x128xi32, #tpu.memory_space<hbm>>
        %dma_wait3A_101 = tpu.memref_squeeze %dma_wait3A_100 : memref<1x2x128xi32, #tpu.memory_space<hbm>> -> memref<2x128xi32, #tpu.memory_space<hbm>>
        tpu.wait_dma2 semaphore(%run_scoped3A : memref<!tpu.dma_semaphore, #tpu.memory_space<semaphore_mem>>) src(%dma_wait3A_101 : memref<2x128xi32, #tpu.memory_space<hbm>>) dst(%arg6 : memref<2x128xi32, #tpu.memory_space<vmem>>)
        tpu.yield
      }) : () -> ()
      %dma_start3A = arith.constant 0 : i32
      %dma_start3A_44 = arith.constant 0 : i32
      %dma_start3A_45 = arith.constant 0 : i32
      %dma_start3A_46 = tpu.memref_slice %arg7[%dma_start3A_44, %dma_start3A_45] : memref<256x64xf32, #tpu.memory_space<vmem>> -> memref<128x64xf32, #tpu.memory_space<vmem>>
      %dma_start3A_47 = arith.constant 0 : i32
      %dma_start3A_48 = tpu.memref_slice %arg6[%dma_start3A, %dma_start3A_47] : memref<2x128xi32, #tpu.memory_space<vmem>> -> memref<1x128xi32, #tpu.memory_space<vmem>>
      %dma_start3A_49 = tpu.memref_squeeze %dma_start3A_48 : memref<1x128xi32, #tpu.memory_space<vmem>> -> memref<128xi32, #tpu.memory_space<vmem>>
      %dma_start3A_50 = arith.constant 0 : i32
      %dma_start3A_51 = arith.constant 0 : i32
      %dma_start3A_52 = tpu.memref_slice %arg3[%dma_start3A_50, %dma_start3A_51] : memref<100000x64xf32, #tpu.memory_space<hbm>> -> memref<100000x64xf32, #tpu.memory_space<hbm>>
      tpu.enqueue_indirect_dma source(%dma_start3A_52 : memref<100000x64xf32, #tpu.memory_space<hbm>>) target(%dma_start3A_46 : memref<128x64xf32, #tpu.memory_space<vmem>>) offsets(%dma_start3A_49 : memref<128xi32, #tpu.memory_space<vmem>>) semaphore(%arg9 : memref<!tpu.dma_semaphore, #tpu.memory_space<semaphore_mem>>)
      %dma_start3A_53 = arith.constant 1 : i32
      %dma_start3A_54 = arith.constant 128 : i32
      %dma_start3A_55 = arith.constant 0 : i32
      %dma_start3A_56 = tpu.memref_slice %arg7[%dma_start3A_54, %dma_start3A_55] : memref<256x64xf32, #tpu.memory_space<vmem>> -> memref<128x64xf32, #tpu.memory_space<vmem>>
      %dma_start3A_57 = arith.constant 0 : i32
      %dma_start3A_58 = tpu.memref_slice %arg6[%dma_start3A_53, %dma_start3A_57] : memref<2x128xi32, #tpu.memory_space<vmem>> -> memref<1x128xi32, #tpu.memory_space<vmem>>
      %dma_start3A_59 = tpu.memref_squeeze %dma_start3A_58 : memref<1x128xi32, #tpu.memory_space<vmem>> -> memref<128xi32, #tpu.memory_space<vmem>>
      %dma_start3A_60 = arith.constant 0 : i32
      %dma_start3A_61 = arith.constant 0 : i32
      %dma_start3A_62 = tpu.memref_slice %arg3[%dma_start3A_60, %dma_start3A_61] : memref<100000x64xf32, #tpu.memory_space<hbm>> -> memref<100000x64xf32, #tpu.memory_space<hbm>>
      tpu.enqueue_indirect_dma source(%dma_start3A_62 : memref<100000x64xf32, #tpu.memory_space<hbm>>) target(%dma_start3A_56 : memref<128x64xf32, #tpu.memory_space<vmem>>) offsets(%dma_start3A_59 : memref<128xi32, #tpu.memory_space<vmem>>) semaphore(%arg9 : memref<!tpu.dma_semaphore, #tpu.memory_space<semaphore_mem>>)
      %dma_wait3A = arith.constant 0 : i32
      %dma_wait3A_63 = arith.constant 0 : i32
      %dma_wait3A_64 = arith.constant 0 : i32
      %dma_wait3A_65 = tpu.memref_slice %arg7[%dma_wait3A_63, %dma_wait3A_64] : memref<256x64xf32, #tpu.memory_space<vmem>> -> memref<128x64xf32, #tpu.memory_space<vmem>>
      %dma_wait3A_66 = arith.constant 0 : i32
      %dma_wait3A_67 = tpu.memref_slice %arg6[%dma_wait3A, %dma_wait3A_66] : memref<2x128xi32, #tpu.memory_space<vmem>> -> memref<1x128xi32, #tpu.memory_space<vmem>>
      %dma_wait3A_68 = tpu.memref_squeeze %dma_wait3A_67 : memref<1x128xi32, #tpu.memory_space<vmem>> -> memref<128xi32, #tpu.memory_space<vmem>>
      %dma_wait3A_69 = arith.constant 0 : i32
      %dma_wait3A_70 = arith.constant 0 : i32
      %dma_wait3A_71 = tpu.memref_slice %arg3[%dma_wait3A_69, %dma_wait3A_70] : memref<100000x64xf32, #tpu.memory_space<hbm>> -> memref<100000x64xf32, #tpu.memory_space<hbm>>
      tpu.wait_indirect_dma semaphore(%arg9 : memref<!tpu.dma_semaphore, #tpu.memory_space<semaphore_mem>>) src(%dma_wait3A_71 : memref<100000x64xf32, #tpu.memory_space<hbm>>) dst(%dma_wait3A_65 : memref<128x64xf32, #tpu.memory_space<vmem>>)
      %dma_wait3A_72 = arith.constant 1 : i32
      %dma_wait3A_73 = arith.constant 128 : i32
      %dma_wait3A_74 = arith.constant 0 : i32
      %dma_wait3A_75 = tpu.memref_slice %arg7[%dma_wait3A_73, %dma_wait3A_74] : memref<256x64xf32, #tpu.memory_space<vmem>> -> memref<128x64xf32, #tpu.memory_space<vmem>>
      %dma_wait3A_76 = arith.constant 0 : i32
      %dma_wait3A_77 = tpu.memref_slice %arg6[%dma_wait3A_72, %dma_wait3A_76] : memref<2x128xi32, #tpu.memory_space<vmem>> -> memref<1x128xi32, #tpu.memory_space<vmem>>
      %dma_wait3A_78 = tpu.memref_squeeze %dma_wait3A_77 : memref<1x128xi32, #tpu.memory_space<vmem>> -> memref<128xi32, #tpu.memory_space<vmem>>
      %dma_wait3A_79 = arith.constant 0 : i32
      %dma_wait3A_80 = arith.constant 0 : i32
      %dma_wait3A_81 = tpu.memref_slice %arg3[%dma_wait3A_79, %dma_wait3A_80] : memref<100000x64xf32, #tpu.memory_space<hbm>> -> memref<100000x64xf32, #tpu.memory_space<hbm>>
      tpu.wait_indirect_dma semaphore(%arg9 : memref<!tpu.dma_semaphore, #tpu.memory_space<semaphore_mem>>) src(%dma_wait3A_81 : memref<100000x64xf32, #tpu.memory_space<hbm>>) dst(%dma_wait3A_75 : memref<128x64xf32, #tpu.memory_space<vmem>>)
      %scan3A_82 = arith.constant 0 : i32
      %scan3A_83 = arith.constant 0 : i32
      %scan3A_84 = arith.constant 256 : i32
      %scan3A_85 = arith.addi %scan3A_83, %scan3A_84 : i32
      %scan3A_86 = arith.constant 1 : i32
      scf.for %scan3A_90 = %scan3A_83 to %scan3A_85 step %scan3A_86  : i32 {
        %get3A = arith.index_cast %scan3A_90 : i32 to index
        %get3A_91 = arith.constant 0 : index
        %get3A_92 = tpu.vector_load %arg7[%get3A, %get3A_91] {strides = array<i32>} : memref<256x64xf32, #tpu.memory_space<vmem>>, vector<1x16xf32>,
        %get3A_93 = vector.shape_cast %get3A_92 : vector<1x16xf32> to vector<16xf32>
        %get3A_94 = arith.index_cast %scan3A_90 : i32 to index
        %get3A_95 = arith.constant 0 : index
        %get3A_96 = tpu.vector_load %arg8[%get3A_94, %get3A_95] {strides = array<i32>} : memref<256x64xf32, #tpu.memory_space<vmem>>, vector<1x16xf32>,
        %get3A_97 = vector.shape_cast %get3A_96 : vector<1x16xf32> to vector<16xf32>
        %add3A_98 = arith.addf %get3A_93, %get3A_97 : vector<16xf32>
        %swap3A = arith.index_cast %scan3A_90 : i32 to index
        %swap3A_99 = arith.constant 0 : index
        %swap3A_100 = tpu.vector_load %arg7[%swap3A, %swap3A_99] {strides = array<i32>} : memref<256x64xf32, #tpu.memory_space<vmem>>, vector<1x16xf32>,
        %swap3A_101 = vector.shape_cast %swap3A_100 : vector<1x16xf32> to vector<16xf32>
        %swap3A_102 = vector.shape_cast %add3A_98 : vector<16xf32> to vector<1x16xf32>
        tpu.vector_store %arg7[%swap3A, %swap3A_99], %swap3A_102 {strides = array<i32>} : memref<256x64xf32, #tpu.memory_space<vmem>>, vector<1x16xf32>,
        %get3A_103 = arith.index_cast %scan3A_90 : i32 to index
        %get3A_104 = arith.constant 16 : index
        %get3A_105 = tpu.vector_load %arg7[%get3A_103, %get3A_104] {strides = array<i32>} : memref<256x64xf32, #tpu.memory_space<vmem>>, vector<1x16xf32>,
        %get3A_106 = vector.shape_cast %get3A_105 : vector<1x16xf32> to vector<16xf32>
        %get3A_107 = arith.index_cast %scan3A_90 : i32 to index
        %get3A_108 = arith.constant 16 : index
        %get3A_109 = tpu.vector_load %arg8[%get3A_107, %get3A_108] {strides = array<i32>} : memref<256x64xf32, #tpu.memory_space<vmem>>, vector<1x16xf32>,
        %get3A_110 = vector.shape_cast %get3A_109 : vector<1x16xf32> to vector<16xf32>
        %add3A_111 = arith.addf %get3A_106, %get3A_110 : vector<16xf32>
        %swap3A_112 = arith.index_cast %scan3A_90 : i32 to index
        %swap3A_113 = arith.constant 16 : index
        %swap3A_114 = tpu.vector_load %arg7[%swap3A_112, %swap3A_113] {strides = array<i32>} : memref<256x64xf32, #tpu.memory_space<vmem>>, vector<1x16xf32>,
        %swap3A_115 = vector.shape_cast %swap3A_114 : vector<1x16xf32> to vector<16xf32>
        %swap3A_116 = vector.shape_cast %add3A_111 : vector<16xf32> to vector<1x16xf32>
        tpu.vector_store %arg7[%swap3A_112, %swap3A_113], %swap3A_116 {strides = array<i32>} : memref<256x64xf32, #tpu.memory_space<vmem>>, vector<1x16xf32>,
        %get3A_117 = arith.index_cast %scan3A_90 : i32 to index
        %get3A_118 = arith.constant 32 : index
        %get3A_119 = tpu.vector_load %arg7[%get3A_117, %get3A_118] {strides = array<i32>} : memref<256x64xf32, #tpu.memory_space<vmem>>, vector<1x16xf32>,
        %get3A_120 = vector.shape_cast %get3A_119 : vector<1x16xf32> to vector<16xf32>
        %get3A_121 = arith.index_cast %scan3A_90 : i32 to index
        %get3A_122 = arith.constant 32 : index
        %get3A_123 = tpu.vector_load %arg8[%get3A_121, %get3A_122] {strides = array<i32>} : memref<256x64xf32, #tpu.memory_space<vmem>>, vector<1x16xf32>,
        %get3A_124 = vector.shape_cast %get3A_123 : vector<1x16xf32> to vector<16xf32>
        %add3A_125 = arith.addf %get3A_120, %get3A_124 : vector<16xf32>
        %swap3A_126 = arith.index_cast %scan3A_90 : i32 to index
        %swap3A_127 = arith.constant 32 : index
        %swap3A_128 = tpu.vector_load %arg7[%swap3A_126, %swap3A_127] {strides = array<i32>} : memref<256x64xf32, #tpu.memory_space<vmem>>, vector<1x16xf32>,
        %swap3A_129 = vector.shape_cast %swap3A_128 : vector<1x16xf32> to vector<16xf32>
        %swap3A_130 = vector.shape_cast %add3A_125 : vector<16xf32> to vector<1x16xf32>
        tpu.vector_store %arg7[%swap3A_126, %swap3A_127], %swap3A_130 {strides = array<i32>} : memref<256x64xf32, #tpu.memory_space<vmem>>, vector<1x16xf32>,
        %get3A_131 = arith.index_cast %scan3A_90 : i32 to index
        %get3A_132 = arith.constant 48 : index
        %get3A_133 = tpu.vector_load %arg7[%get3A_131, %get3A_132] {strides = array<i32>} : memref<256x64xf32, #tpu.memory_space<vmem>>, vector<1x16xf32>,
        %get3A_134 = vector.shape_cast %get3A_133 : vector<1x16xf32> to vector<16xf32>
        %get3A_135 = arith.index_cast %scan3A_90 : i32 to index
        %get3A_136 = arith.constant 48 : index
        %get3A_137 = tpu.vector_load %arg8[%get3A_135, %get3A_136] {strides = array<i32>} : memref<256x64xf32, #tpu.memory_space<vmem>>, vector<1x16xf32>,
        %get3A_138 = vector.shape_cast %get3A_137 : vector<1x16xf32> to vector<16xf32>
        %add3A_139 = arith.addf %get3A_134, %get3A_138 : vector<16xf32>
        %swap3A_140 = arith.index_cast %scan3A_90 : i32 to index
        %swap3A_141 = arith.constant 48 : index
        %swap3A_142 = tpu.vector_load %arg7[%swap3A_140, %swap3A_141] {strides = array<i32>} : memref<256x64xf32, #tpu.memory_space<vmem>>, vector<1x16xf32>,
        %swap3A_143 = vector.shape_cast %swap3A_142 : vector<1x16xf32> to vector<16xf32>
        %swap3A_144 = vector.shape_cast %add3A_139 : vector<16xf32> to vector<1x16xf32>
        tpu.vector_store %arg7[%swap3A_140, %swap3A_141], %swap3A_144 {strides = array<i32>} : memref<256x64xf32, #tpu.memory_space<vmem>>, vector<1x16xf32>,
      }
      %scan3A_87 = arith.constant 256 : i32
      %mul3A_88 = arith.constant 256 : i32
      %mul3A_89 = arith.muli %select_n3A_9, %mul3A_88 : i32
      "tpu.region"() ({
        %run_scoped3A = tpu.sem_alloc : memref<!tpu.dma_semaphore, #tpu.memory_space<semaphore_mem>>
        %dma_start3A_90 = arith.constant 0 : i32
        %dma_start3A_91 = tpu.memref_slice %arg5[%add3A_41, %mul3A_89, %dma_start3A_90] : memref<32x2048x64xf32, #tpu.memory_space<hbm>> -> memref<1x256x64xf32, #tpu.memory_space<hbm>>
        %dma_start3A_92 = tpu.memref_squeeze %dma_start3A_91 : memref<1x256x64xf32, #tpu.memory_space<hbm>> -> memref<256x64xf32, #tpu.memory_space<hbm>>
        %dma_start3A_93 = arith.constant 0 : i32
        %dma_start3A_94 = tpu.memref_slice %arg5[%add3A_41, %mul3A_89, %dma_start3A_93] : memref<32x2048x64xf32, #tpu.memory_space<hbm>> -> memref<1x256x64xf32, #tpu.memory_space<hbm>>
        %dma_start3A_95 = tpu.memref_squeeze %dma_start3A_94 : memref<1x256x64xf32, #tpu.memory_space<hbm>> -> memref<256x64xf32, #tpu.memory_space<hbm>>
        tpu.enqueue_dma source(%arg7 : memref<256x64xf32, #tpu.memory_space<vmem>>) target(%dma_start3A_95 : memref<256x64xf32, #tpu.memory_space<hbm>>) target_semaphore(%run_scoped3A : memref<!tpu.dma_semaphore, #tpu.memory_space<semaphore_mem>>)
        %dma_wait3A_96 = arith.constant 0 : i32
        %dma_wait3A_97 = tpu.memref_slice %arg5[%add3A_41, %mul3A_89, %dma_wait3A_96] : memref<32x2048x64xf32, #tpu.memory_space<hbm>> -> memref<1x256x64xf32, #tpu.memory_space<hbm>>
        %dma_wait3A_98 = tpu.memref_squeeze %dma_wait3A_97 : memref<1x256x64xf32, #tpu.memory_space<hbm>> -> memref<256x64xf32, #tpu.memory_space<hbm>>
        %dma_wait3A_99 = arith.constant 0 : i32
        %dma_wait3A_100 = tpu.memref_slice %arg5[%add3A_41, %mul3A_89, %dma_wait3A_99] : memref<32x2048x64xf32, #tpu.memory_space<hbm>> -> memref<1x256x64xf32, #tpu.memory_space<hbm>>
        %dma_wait3A_101 = tpu.memref_squeeze %dma_wait3A_100 : memref<1x256x64xf32, #tpu.memory_space<hbm>> -> memref<256x64xf32, #tpu.memory_space<hbm>>
        tpu.wait_dma2 semaphore(%run_scoped3A : memref<!tpu.dma_semaphore, #tpu.memory_space<semaphore_mem>>) src(%arg7 : memref<256x64xf32, #tpu.memory_space<vmem>>) dst(%dma_wait3A_101 : memref<256x64xf32, #tpu.memory_space<hbm>>)
        tpu.yield
      }) : () -> ()
    }
    %scan3A_37 = arith.constant 8 : i32
    return
  }
}

</mosaic_0001>

<sc_bundles>
// kernel: kernel.3.cloned.1.call-start
scs
__scs_entry_jumppad:
0x0: {  	(pc) =	sbr.rel $0x88, $3  }
0x1: {  	(tag) =	ssettag $0x0;
	lr =	simm.s32 $0x1  }
0x2: {  	[smem:$0x3F9E] =	sst lr;
	_ =	strace $0xD0000000  }
0x3: {  	_ = 	snop  }
0x4: {  	_ = 	snop  }
0x5: {  	_ = 	snop  }
0x6: {  	_ = 	snop  }
0x7: {  	_ = 	snop  }
__scs_overlays_trampoline_lowered:
0x8: {  	[smem:$0x3FAD] =	sst s0  }
0x9: {  	[smem:$0x3FAE] =	sst s1  }
0xa: {  	[smem:$0x3FAF] =	sst s2  }
0xb: {  	[smem:$0x3FB0] =	sst s3  }
0xc: {  	[smem:$0x3FB1] =	sst s4  }
0xd: {  	[smem:$0x3FB2] =	sst s5  }
0xe: {  	[smem:$0x3FB3] =	sst s6  }
0xf: {  	[smem:$0x3FB4] =	sst s7  }
0x10: {  	[smem:$0x3FB5] =	sst s8  }
0x11: {  	[smem:$0x3FB6] =	sst s9;
	s0 =	simm.s32 @!p0 $0x0  }
0x12: {  	s1 =	sld [smem:$0x3F9C];
	s0 =	simm.s32 @p0 $0x1  }
0x13: {  	[smem:$0x3FB7] =	sst s0;
	s0 =	simm.s32 @!p1 $0x0  }
0x14: {  	s2 =	sld [smem:$0x3F9B];
	s0 =	simm.s32 @p1 $0x1  }
0x15: {  	[smem:$0x3FB8] =	sst s0;
	s0 =	simm.s32 @!p2 $0x0  }
0x16: {  	s3 =	sld [smem:$0x3FDB];
	s0 =	simm.s32 @p2 $0x1  }
0x17: {  	s4 =	simm.s32 $0x1BF5;
	[smem:$0x3FBA] =	sst s0  }
0x18: {  	s0 =	sld [smem:$0x3F9D];
	_ =	swait.ge [sflag:s4], $0x0  }
0x19: {  	s7 =	sld [smem:$0x3F9E]  }
0x1a: {  	s8 =	sadd.s32 $0xFFFFE003, lr  }
0x1b: {  	s9 =	sadd.s32 $0xFFFFFEF7, lr;
	s5 =	simm.s32 $0xFFFFFFFF;
	p2 =	slt.u32 s8, $0xFFFFF086  }
0x1c: {  	p1 =	slt.u32 s9, $0xF7A;
	s5 =	simm.s32 @!p2 $0x0  }
0x1d: {  	s5 =	simm.s32 @p1 $0x1;
	p0 =	seq.s32 s7, s2  }
0x1e: {  	s7 =	smul.u32 @!p0 $0xF7A, s2;
	p2 =	seq.s32 @!p0 s5, $0x0  }
0x1f: {  	s9 =	smul.u32 $0xF7A, s1;
	s8 =	simm.s32 @!p0 $0x1BF5;
	p2 =	por !p2, p0  }
0x20: {  	[sflag:s8] =	ssyncset.s32 @!p0 $0xFFFFF086;
	s6 =	sadd.s32 @!p0 s3, s7;
	s7 =	simm.s32 @!p0 $0x108  }
0x21: {  	s3 =	sadd.s32 s3, s9;
	s6 =	sadd.s32 @!p0 $0x88, s6;
	s7 =	simm.s32 @p2 $0x1082  }
0x22: {  	[simem:s7], [sflag:s8] =	dma.local @!p0 [hbm:s6], $0xF7A  }
0x23: {  	s9 =	sor.u32 $0xD0000000, s2;
	s6 =	simm.s32 $0x108;
	_ =	swait.ge @!p0 [sflag:s8], $0x0  }
0x24: {  	s3 =	sadd.s32 $0x88, s3;
	s6 =	simm.s32 @!p1 $0x1082;
	[sflag:s4] =	ssyncset.s32 $0xFFFFF086  }
0x25: {  	[simem:s6], [sflag:s4] =	dma.local [hbm:s3], $0xF7A  }
0x26: {  	[smem:$0x3F9E] =	sst s1;
	(tag) =	ssettag s2;
	_ =	strace s9  }
0x27: {  	s1 =	sld [smem:$0x3FAE]  }
0x28: {  	s2 =	sld [smem:$0x3FAF]  }
0x29: {  	s4 =	sld [smem:$0x3FB1]  }
0x2a: {  	p0 =	seq.s32 s5, $0x0;
	s5 =	sld [smem:$0x3FB2]  }
0x2b: {  	s6 =	sld [smem:$0x3FB3]  }
0x2c: {  	s7 =	sld [smem:$0x3FB4]  }
0x2d: {  	s3 =	simm.s32 $0x108;
	s8 =	sld [smem:$0x3FB5]  }
0x2e: {  	s3 =	simm.s32 @!p0 $0x1082;
	s9 =	sld [smem:$0x3FB6]  }
0x2f: {  	lr =	sadd.s32 s0, s3;
	s0 =	sld [smem:$0x3FAD]  }
0x30: {  	s3 =	sld [smem:$0x3FB0]  }
0x31: {  	[smem:$0x3FB9] =	sst s10  }
0x32: {  	s10 =	sld [smem:$0x3FB7];
	_ =	sdelay $0x3  }
0x33: {  	p0 =	seq.s32 s10, $0x1;
	s10 =	sld [smem:$0x3FB9];
	_ =	sdelay $0x3  }
0x34: {  	[smem:$0x3FB9] =	sst s10  }
0x35: {  	s10 =	sld [smem:$0x3FB8];
	_ =	sdelay $0x3  }
0x36: {  	p1 =	seq.s32 s10, $0x1;
	s10 =	sld [smem:$0x3FB9];
	_ =	sdelay $0x3  }
0x37: {  	[smem:$0x3FB9] =	sst s10  }
0x38: {  	s10 =	sld [smem:$0x3FBA]  }
0x39: {  	_ = 	snop;
	(pc) =	sbr.ind lr, $3  }
0x3a: {  	_ = 	snop  }
0x3b: {  	_ = 	snop  }
0x3c: {  	p2 =	seq.s32 s10, $0x1;
	s10 =	sld [smem:$0x3FB9]  }
0x3d: {  	_ =	shalt  }
0x3e: {  	_ =	shalt  }
0x3f: {  	_ =	shalt  }
0x40: {  	_ =	shalt  }
0x41: {  	_ =	shalt  }
0x42: {  	_ =	shalt  }
0x43: {  	_ =	shalt  }
0x44: {  	_ =	shalt  }
0x45: {  	_ =	shalt  }
0x46: {  	_ =	shalt  }
0x47: {  	_ =	shalt  }
0x48: {  	_ =	shalt  }
0x49: {  	_ =	shalt  }
0x4a: {  	_ =	shalt  }
0x4b: {  	_ =	shalt  }
0x4c: {  	_ =	shalt  }
0x4d: {  	_ =	shalt  }
0x4e: {  	_ =	shalt  }
0x4f: {  	_ =	shalt  }
0x50: {  	_ =	shalt  }
0x51: {  	_ =	shalt  }
0x52: {  	_ =	shalt  }
0x53: {  	_ =	shalt  }
0x54: {  	_ =	shalt  }
0x55: {  	_ =	shalt  }
0x56: {  	_ =	shalt  }
0x57: {  	_ =	shalt  }
0x58: {  	_ =	shalt  }
0x59: {  	_ =	shalt  }
0x5a: {  	_ =	shalt  }
0x5b: {  	_ =	shalt  }
0x5c: {  	_ =	shalt  }
0x5d: {  	_ =	shalt  }
0x5e: {  	_ =	shalt  }
0x5f: {  	_ =	shalt  }
0x60: {  	_ =	shalt  }
0x61: {  	_ =	shalt  }
0x62: {  	_ =	shalt  }
0x63: {  	_ =	shalt  }
0x64: {  	_ =	shalt  }
0x65: {  	_ =	shalt  }
0x66: {  	_ =	shalt  }
0x67: {  	_ =	shalt  }
0x68: {  	_ =	shalt  }
0x69: {  	_ =	shalt  }
0x6a: {  	_ =	shalt  }
0x6b: {  	_ =	shalt  }
0x6c: {  	_ =	shalt  }
0x6d: {  	_ =	shalt  }
0x6e: {  	_ =	shalt  }
0x6f: {  	_ =	shalt  }
0x70: {  	_ =	shalt  }
0x71: {  	_ =	shalt  }
0x72: {  	_ =	shalt  }
0x73: {  	_ =	shalt  }
0x74: {  	_ =	shalt  }
0x75: {  	_ =	shalt  }
0x76: {  	_ =	shalt  }
0x77: {  	_ =	shalt  }
0x78: {  	_ =	shalt  }
0x79: {  	_ =	shalt  }
0x7a: {  	_ =	shalt  }
0x7b: {  	_ =	shalt  }
0x7c: {  	_ =	shalt  }
0x7d: {  	_ =	shalt  }
0x7e: {  	_ =	shalt  }
0x7f: {  	_ =	shalt  }
0x80: {  	_ =	shalt  }
0x81: {  	_ =	shalt  }
0x82: {  	_ =	shalt  }
0x83: {  	_ =	shalt  }
0x84: {  	_ =	shalt  }
0x85: {  	_ =	shalt  }
0x86: {  	_ =	shalt  }
0x87: {  	_ =	shalt  }
.Lfunc_end0:
.L_simem_size_0:
called_computation_lowered:
.L_overlay_start_0:
0x88: {  	s2 =	sld [smem:$0x3FD9]  }
0x89: {  	s3 =	sld [smem:$0x3FFE];
	_ =	sdelay $0x1  }
0x8a: {  	s1 =	srdreg.scid  }
0x8b: {  	s0 =	sand.u32 $0x1, s1  }
0x8c: {  	s17 =	sshll.u32 s0, $0xA;
	s2 =	sadd.s32 s3, s2  }
0x8d: {  	s2 =	sadd.s32 s2, s17  }
0x8e: {  	[smem:$0x3FC5] =	sst s2  }
0x8f: {  	_ = 	snop  }
0x90: {  	s2 =	sld [smem:$0x3FD0];
	(tm) =	ssettm $0x1  }
0x91: {  	s18 =	sld [smem:$0x3FFB];
	_ =	sdelay $0x3  }
0x92: {  	_ =	strace s18  }
0x93: {  	s3 =	sld [smem:$0x3FFC];
	_ =	sdelay $0x3  }
0x94: {  	_ =	strace s3  }
0x95: {  	s3 =	sld [smem:$0x3FFD];
	_ =	sdelay $0x3  }
0x96: {  	_ =	strace s3  }
0x97: {  	_ =	strace $0x8FFFFFFF  }
0x98: {  	s19 =	sld [smem:$0x3FDB];
	_ =	sdelay $0x1  }
0x99: {  	s4 =	simm.s32 $_scs_section_size  }
0x9a: {  	s5 =	simm.s32 $_size__tile_overlayer_lowered;
	s6 =	simm.s32 $_tile_overlayer_lowered  }
0x9b: {  	s22 =	simm.s32 $0x1BFF;
	s21 =	sshll.u32 s6, $0x1;
	s3 =	sadd.s32 s4, s19  }
0x9c: {  	s7 =	simm.s32 $0x0;
	s20 =	sshll.u32 s5, $0x1;
	s5 =	sadd.s32 s21, s3  }
0x9d: {  	[timem:s7], [sflag:s22] =	dma.local [hbm:s5], s20  }
0x9e: {  	_ =	swait.ge [sflag:s22], s20  }
0x9f: {  	s4 =	ssub.s32 $0x0, s20;
	[sflag:s22] =	ssyncset.done $0x0  }
0xa0: {  	[sflag:s22] =	ssyncadd.s32 s4;
	_ =	sdelay $0x1  }
0xa1: {  	s23 =	simm.s32 $0x1B8B  }
0xa2: {  	_ =	swait.ge [sflag:s23], $0x1  }
0xa3: {  	[sflag:s23] =	ssyncset.done $0x0  }
0xa4: {  	s25 =	simm.s32 $0x1B8E;
	s24 =	sld [smem:$0x3FFE];
	[sflag:s23] =	ssyncadd.s32 $0xFFFFFFFF  }
0xa5: {  	s26 =	simm.s32 $execute0_lowered;
	[smem:$0x3FD2] =	sst s25  }
0xa6: {  	s5 =	sshll.u32 s26, $0x1;
	_ =	strace $0x80000046;
	[dreg:$0x1] =	wrdreg $0xFFFFFFFF  }
0xa7: {  	s28 =	simm.s32 $_size_execute0_lowered;
	s3 =	sadd.s32 s3, s5;
	[dreg:$0x0] =	wrdreg $0x0  }
0xa8: {  	s5 =	sshll.u32 s28, $0x1;
	[dreg:$0x2] =	wrdreg s3  }
0xa9: {  	[dreg:$0x3] =	wrdreg s5  }
0xaa: {  	[dreg:$0x4] =	wrdreg $0xC0  }
0xab: {  	_ =	task [dreg:s7], $0x5FFFF  }
0xac: {  	[dreg:$0x1] =	wrdreg $0xFFFFFFFF  }
0xad: {  	[dreg:$0x0] =	wrdreg $0x60  }
0xae: {  	[dreg:$0x2] =	wrdreg s24  }
0xaf: {  	[dreg:$0x3] =	wrdreg s2  }
0xb0: {  	[dreg:$0x4] =	wrdreg $0x9  }
0xb1: {  	_ =	task.clear_ibuf [dreg:s7], $0x5FFFF;
	_ =	strace $0x90000046  }
0xb2: {  	s29 =	simm.s32 $0x9;
	_ =	strace $0x80000048  }
0xb3: {  	_ =	swait.ge [sflag:s29], $0x1  }
0xb4: {  	[sflag:s29] =	ssyncadd.s32 $0xFFFFFFFF  }
0xb5: {  	_ =	strace $0x90000048  }
0xb6: {  	_ =	sfence  }
0xb7: {  	s30 =	sld [smem:$0x0];
	_ =	sdelay $0x2  }
0xb8: {  	s31 =	sshll.u32 s1, $0xD;
	s1 =	sshrl.u32 s1, $0x2  }
0xb9: {  	s3 =	sand.u32 $0x4000, s31;
	s1 =	sadd.s32 s1, s30  }
0xba: {  	s0 =	sor.u32 s3, s0;
	s1 =	sshll.u32 s1, $0x11  }
0xbb: {  	s0 =	sor.u32 s1, s0  }
0xbc: {  	s0 =	sadd.s32 $0x8F2B, s0  }
0xbd: {  	[sflag:s0] =	ssyncadd.remote.s32 $0x1  }
0xbe: {  	_ =	sfence.sel $0xFFFF  }
0xbf: {  	[dreg:$0x0] =	wrdreg $0xFFFFFFFF;
	(pc) =	sbr.abs _section_cstart, $3  }
0xc0: {  	[dreg:$0x1] =	wrdreg $0xFFFFFFFF  }
0xc1: {  	_ =	task.clear_ibuf [dreg:s7], $0x2FFFF;
	_ =	strace $0x9FFFFFFF  }
0xc2: {  	(tm) =	ssettm $0x7FFFFFFF  }
0xc3: {  	_ =	shalt  }
tec
execute0_lowered:
.L_overlay_start_1:
0x0: {  	(tag) =	ssettag $0x1  }
0x1: {  	s4 =	rddreg [dreg:$0x0]  }
0x2: {  	s7 =	rddreg [dreg:$0x1];
	s1 =	stileid.u32  }
0x3: {  	s0 =	rddreg [dreg:$0x2];
	s3 =	srdreg.scid  }
0x4: {  	s2 =	simm.s32 $0x0;
	s11 =	simm.s32 $0x80;
	s12 =	simm.s32 $0x100  }
0x5: {  	s13 =	simm.s32 $0x2100;
	s14 =	simm.s32 $0x1;
	s15 =	simm.s32 $0x0  }
0x6: {  	s5 =	sshll.u32 s1, $0x1;
	s3 =	sand.u32 $0x1, s3;
	[smem:$0x7FF] =	sst s2  }
0x7: {  	s6 =	sand.u32 $0x6, s5;
	_ =	strace $0x80000047;
	s9 =	ssub.s32 $0x2, s3  }
0x8: {  	s5 =	sand.u32 $0x18, s5;
	s6 =	sor.u32 s3, s6;
	s31 =	sshrl.u32 s9, $0x1  }
0x9: {  	s3 =	sadd.s32 $0x187200, s4;
	s8 =	sshll.u32 s6, $0x5;
	s10 =	sshll.u32 s6, $0xB  }
0xa: {  	s9 =	ssub.s32 s9, s31;
	s8 =	sadd.s32 s8, s4;
	s4 =	sadd.s32 s10, s4  }
0xb: {  	s7 =	sadd.s32 s7, s10;
	s10 =	simm.s32 $0x2;
	s4 =	sadd.s32 $0x800, s4  }
0xc: {  	s6 =	sadd.s32 $0x4800, s8;
	s8 =	smax.u32 s9, $0x1;
	s9 =	simm.s32 $0x4100  }
.LBB2_1:
0xd: {  	[tilespmem:s9], [sflag:$0x2] =	stream.linear.gather [hbm4b:s4+s2], $0x4000, $0x38;
	[tilespmem:$0x8100] =	vst v63  }
0xe: {  	_ =	swait.ge [sflag:s10], $0x4000  }
0xf: {  	[sflag:s10] =	ssyncset.done $0x0  }
0x10: {  	s16 =	simm.s32 $0x0;
	[sflag:s10] =	ssyncadd.s32 $0xFFFFC000  }
.LBB2_2:
0x11: {  	s17 =	sor.u32 s5, s16  }
0x12: {  	s18 =	sshll.u32 s17, $0x8  }
0x13: {  	s19 =	simm.s32 $0x0;
	s18 =	sadd.s32 s18, s6  }
0x14: {  	[tilespmem:s19], [sflag:$0x2] =	stream.linear.gather [hbm4b:s18+s19], $0x100, $0x38;
	[tilespmem:$0x8100] =	vst v63  }
0x15: {  	_ =	swait.ge [sflag:s10], $0x100  }
0x16: {  	[sflag:s10] =	ssyncset.done $0x0  }
0x17: {  	[sflag:s10] =	ssyncadd.s32 $0xFFFFFF00  }
0x18: {  	[tilespmem:s12], [sflag:$0x1] =	stream.indirect.gather [hbm4b:s3+s11], $0x40, s19, s11, $0xb8;
	[tilespmem:$0x8100] =	vst v63  }
0x19: {  	_ = 	snop  }
0x1a: {  	[tilespmem:s13], [sflag:$0x1] =	stream.indirect.gather [hbm4b:s3+s11], $0x40, s11, s11, $0xb8;
	[tilespmem:$0x8100] =	vst v63  }
0x1b: {  	_ =	swait.ge [sflag:s14], $0x2000  }
0x1c: {  	[sflag:s14] =	ssyncset.done $0x0  }
0x1d: {  	[sflag:s14] =	ssyncadd.s32 $0xFFFFE000  }
0x1e: {  	_ =	swait.ge [sflag:s14], $0x2000  }
0x1f: {  	[sflag:s14] =	ssyncset.done $0x0  }
0x20: {  	s18 =	simm.s32 $0x0;
	[sflag:s14] =	ssyncadd.s32 $0xFFFFE000  }
0x21: {  	v5 =	vld [tilespmem:s18+$0x4100]  }
0x22: {  	v6 =	vld [tilespmem:s18+$0x4110]  }
0x23: {  	v1 =	vld [tilespmem:s18+$0x4120]  }
0x24: {  	v0 =	vld [tilespmem:s18+$0x4130]  }
0x25: {  	v2 =	vld [tilespmem:s18+$0x100]  }
0x26: {  	v4 =	vld [tilespmem:s18+$0x110]  }
0x27: {  	s19 =	simm.s32 $0x100;
	v3 =	vld [tilespmem:s18+$0x120]  }
.LBB2_3:
0x28: {  	s20 =	sshra.s32 s19, $0x2;
	p0 =	sne.s32 s19, $0xFF00;
	v7 =	vld [tilespmem:s18+$0x130];
	v8 =	vmov v1  }
0x29: {  	v9 =	vld [tilespmem:s20+$0x4100];
	v10 =	vmov v0  }
0x2a: {  	v11 =	vld [tilespmem:s20+$0x4110];
	v2 =	vadd.f32 v5, v2  }
.Ltmp0:
0x2b: {  	v1 =	vld [tilespmem:s20+$0x4120];
	v4 =	vadd.f32 v6, v4;
	(pc) =	sbr.rel @p0 .LBB2_3-.Ltmp0, $4  }
0x2c: {  	v0 =	vld [tilespmem:s20+$0x4130];
	[tilespmem:s18+$0x100] =	vst v2;
	v3 =	vadd.f32 v8, v3  }
0x2d: {  	v2 =	vld [tilespmem:s20+$0x100];
	[tilespmem:s18+$0x110] =	vst v4;
	v7 =	vadd.f32 v10, v7  }
0x2e: {  	v4 =	vld [tilespmem:s20+$0x110];
	[tilespmem:s18+$0x120] =	vst v3;
	v5 =	vmov v9  }
0x2f: {  	s19 =	sadd.s32 $0x100, s19;
	v3 =	vld [tilespmem:s20+$0x120];
	[tilespmem:s18+$0x130] =	vst v7;
	v6 =	vmov v11;
	s18 =	smov.u32 s20  }
0x30: {  	v7 =	vld [tilespmem:s18+$0x130];
	_ =	sdelay $0x1  }
0x31: {  	v2 =	vadd.f32 v5, v2  }
0x32: {  	v4 =	vadd.f32 v6, v4  }
0x33: {  	[tilespmem:s18+$0x100] =	vst v2;
	v1 =	vadd.f32 v1, v3  }
0x34: {  	s16 =	sadd.s32 $0x1, s16;
	[tilespmem:s18+$0x110] =	vst v4;
	v0 =	vadd.f32 v0, v7  }
0x35: {  	s17 =	sshll.u32 s17, $0xE;
	p0 =	sne.s32 s16, $0x8;
	[tilespmem:s18+$0x120] =	vst v1  }
.Ltmp1:
0x36: {  	s17 =	sadd.s32 s17, s7;
	[tilespmem:s18+$0x130] =	vst v0;
	(pc) =	sbr.rel @p0 .LBB2_2-.Ltmp1, $4  }
0x37: {  	[hbm4b:s17+s2] =	stream.linear.scatter [tilespmem:s12], [sflag:$0x2], $0x4000, $0x38;
	[tilespmem:$0x8100] =	vst v63  }
0x38: {  	_ =	swait.ge [sflag:s10], $0x4000  }
0x39: {  	[sflag:s10] =	ssyncset.done $0x0  }
0x3a: {  	[sflag:s10] =	ssyncadd.s32 $0xFFFFC000  }
0x3b: {  	s15 =	sadd.s32 $0x1, s15  }
0x3c: {  	p0 =	sne.s32 s15, s8  }
.Ltmp2:
0x3d: {  	_ = 	snop;
	(pc) =	sbr.rel @p0 .LBB2_1-.Ltmp2, $1  }
0x3e: {  	_ =	sdelay $0x3  }
0x3f: {  	_ =	sfence.sel $0x180000  }
0x40: {  	[bflag:$0x0] =	sbarrier.arrive $0xFFFF  }
0x41: {  	p0 =	sne.s32 s1, $0x0;
	_ =	strace $0x90000047  }
0x42: {  	s0 =	sadd.s32 @!p0 $0x100000, s0;
	[bflag:$0x2] =	sbarrier.arrive $0xFFFF  }
0x43: {  	[sflag:s0] =	ssyncadd.tile.s32 @!p0 $0x1;
	_ =	shalt  }
.Lfunc_end2:
_tile_overlayer_lowered:
.L_overlay_start_2:
0x44: {  	(tag) =	ssettag $0x2  }
0x45: {  	s0 =	rddreg [dreg:$0x0];
	s2 =	stileid.u32  }
0x46: {  	s1 =	rddreg [dreg:$0x1];
	p0 =	sne.s32 s2, $0x0  }
0x47: {  	s3 =	rddreg [dreg:$0x2];
	[bflag:$0x3] =	sbarrier.arrive $0xFFFF;
	s2 =	simm.s32 @!p0 $0x1C02  }
0x48: {  	[timem:s3], [sflag:s2] =	dma.local @!p0 [hbm:s0], s1  }
0x49: {  	s0 =	simm.s32 @!p0 $0x2  }
0x4a: {  	_ =	swait.ge @!p0 [sflag:s0], s1  }
0x4b: {  	s1 =	ssub.s32 @!p0 $0x0, s1;
	[sflag:s0] =	ssyncset.done @!p0 $0x0  }
0x4c: {  	[sflag:s0] =	ssyncadd.s32 @!p0 s1  }
0x4d: {  	[bflag:$0x3] =	sbarrier.arrive $0xFFFF  }
0x4e: {  	_ =	shalt  }

</sc_bundles>
